<compile_context>
chip_gen: v7x
topology: tpu7x:2x2x1
jax: 0.10.2.dev20260603
libtpu: 0.0.44.dev20260713+nightly
codegen_flags: <defaults>
</compile_context>

<pallas_src>
import functools

import jax
import jax.numpy as jnp
from jax import lax
from jax.experimental import pallas as pl
from jax.experimental.pallas import tpu as pltpu
from jax.experimental.pallas import tpu_sc as plsc

N = 10000
D = 128
G = 64
N_PAD = 10240
E_TOT = 320000
NC, NS = 2, 16
NW = NC * NS
C = 128
CM = C
CH0 = 77
CH1 = 81
E_PAD = NS * (CH0 + CH1) * CM
CHUNKS_PER_W = E_PAD // (NW * C)
T_E = CHUNKS_PER_W * C
SLICE = N_PAD // NS
NIDX = 4
NRB = 2
E_IDX = E_PAD + (NIDX - 1) * CM

@functools.cache
def _mesh():
    return plsc.VectorSubcoreMesh(core_axis_name="c", subcore_axis_name="s",
                                  num_cores=NC, num_subcores=NS)



def _fill(buf, rows, value):
    def fbody(j, carry):
        for f in range(D // 16):
            buf[j, pl.ds(16 * f, 16)] = jnp.full((16,), value, jnp.float32)
        return carry

    lax.fori_loop(0, rows, fbody, 0)


def _zero_acc(buf, acc_sh, s):
    _fill(buf, CM, 0.0)
    for t in range(SLICE // CM):
        pltpu.sync_copy(buf, acc_sh.at[pl.ds(s * SLICE + t * CM, CM)])


def _deg_body(dst_hbm, out_hbm, dst_v, ones_v, acc_sh):
    c = lax.axis_index("c")
    s = lax.axis_index("s")
    wid = s * NC + c
    _zero_acc(ones_v, acc_sh, s)
    _fill(ones_v, C, 1.0)
    plsc.subcore_barrier()

    def body(i, carry):
        base = wid * T_E + i * C
        pltpu.sync_copy(dst_hbm.at[pl.ds(base, C)], dst_v)
        pltpu.sync_copy(ones_v, acc_sh.at[dst_v], add=True)
        return carry

    lax.fori_loop(0, CHUNKS_PER_W, body, 0)
    plsc.subcore_barrier()
    pltpu.sync_copy(acc_sh.at[pl.ds(s * SLICE, SLICE)],
                    out_hbm.at[pl.ds(c * N_PAD + s * SLICE, SLICE)])


@functools.cache
def _deg_kernel():
    return pl.kernel(
        _deg_body,
        out_type=jax.ShapeDtypeStruct((NC * N_PAD, D), jnp.float32),
        mesh=_mesh(),
        scratch_types=[
            pltpu.VMEM((C,), jnp.int32),
            pltpu.VMEM((C, D), jnp.float32),
            pltpu.VMEM_SHARED((N_PAD, D), jnp.float32),
        ],
    )


def _msg_body(g_hbm, src_hbm, dst_hbm, out0_hbm, out1_hbm,
              src_b, dst_b, isems, rbufs, gsems, ssems, acc_sh):
    c = lax.axis_index("c")
    s = lax.axis_index("s")


    def pipeline(base, ch):
        def start_idx(i, q):
            pltpu.async_copy(src_hbm.at[pl.ds(base + i * CM, CM)], src_b[q],
                             isems[q])
            pltpu.async_copy(dst_hbm.at[pl.ds(base + i * CM, CM)], dst_b[q],
                             isems[q])

        def wait_idx(q):
            pltpu.make_async_copy(src_hbm.at[pl.ds(0, CM)], src_b[q],
                                  isems[q]).wait()
            pltpu.make_async_copy(dst_hbm.at[pl.ds(0, CM)], dst_b[q],
                                  isems[q]).wait()

        def start_gather(q, b):
            pltpu.async_copy(g_hbm.at[src_b[q]], rbufs[b], gsems[b])

        def wait_gather(b):
            pltpu.make_async_copy(g_hbm.at[pl.ds(0, CM)], rbufs[b],
                                  gsems[b]).wait()

        def start_scatter(q, b):
            pltpu.async_copy(rbufs[b], acc_sh.at[dst_b[q]], ssems[b],
                             add=True)

        def wait_scatter(b):
            pltpu.make_async_copy(rbufs[b], acc_sh.at[pl.ds(0, CM)],
                                  ssems[b]).wait()

        for q in range(NIDX):
            start_idx(q, q)
        for b in range(NRB):
            wait_idx(b)
            start_gather(b, b)

        def body(k, carry):
            i0 = k * NIDX
            for b in range(NIDX):
                i = i0 + b
                rb = b % NRB
                wait_gather(rb)
                start_scatter(b, rb)
                wait_idx((b + NRB) % NIDX)
                wait_scatter(rb)
                start_idx(i + NIDX, b)
                start_gather((b + NRB) % NIDX, rb)
            return carry

        n_full = (ch - 1) // NIDX
        lax.fori_loop(0, n_full, body, 0)

        last = n_full * NIDX
        wait_gather(last % NRB)
        start_scatter(last % NIDX, last % NRB)
        wait_gather((last + 1) % NRB)
        wait_scatter(last % NRB)
        for i in range(last + 2, last + NIDX):
            wait_idx(i % NIDX)

    _zero_acc(rbufs[0], acc_sh, s)
    plsc.subcore_barrier()

    @pl.when(c == 0)
    def _core0():
        pipeline(s * CH0 * CM, CH0)

    @pl.when(c == 1)
    def _core1():
        pipeline((NS * CH0 + s * CH1) * CM, CH1)

    plsc.subcore_barrier()

    @pl.when(c == 0)
    def _dump0():
        pltpu.sync_copy(acc_sh.at[pl.ds(s * SLICE, SLICE)],
                        out0_hbm.at[pl.ds(s * SLICE, SLICE)])

    @pl.when(c == 1)
    def _dump1():
        pltpu.sync_copy(acc_sh.at[pl.ds(s * SLICE, SLICE)],
                        out1_hbm.at[pl.ds(s * SLICE, SLICE)])


@functools.cache
def _msg_kernel():
    return pl.kernel(
        _msg_body,
        out_type=(jax.ShapeDtypeStruct((N_PAD, D), jnp.float32),
                  jax.ShapeDtypeStruct((N_PAD, D), jnp.float32)),
        mesh=_mesh(),
        scratch_types=[
            [pltpu.VMEM((CM,), jnp.int32)] * NIDX,
            [pltpu.VMEM((CM,), jnp.int32)] * NIDX,
            [pltpu.SemaphoreType.DMA] * NIDX,
            [pltpu.VMEM((CM, D), jnp.float32)] * NRB,
            [pltpu.SemaphoreType.DMA] * NRB,
            [pltpu.SemaphoreType.DMA] * NRB,
            pltpu.VMEM_SHARED((N_PAD, D), jnp.float32),
        ],
    )



_BLK = 1024
_GRID = N_PAD // _BLK


def _dense_first_body(x_ref, dinv_ref, wt_ref, g_ref):
    g_ref[...] = jnp.dot(x_ref[...], wt_ref[...],
                         preferred_element_type=jnp.float32) * dinv_ref[...]


def _dense_mid_body(a0_ref, a1_ref, g_ref, dinv_ref, b_ref, wt_ref, o_ref):
    t = (a0_ref[...] + a1_ref[...] + g_ref[...]) * dinv_ref[...] + b_ref[...]
    t = jnp.maximum(t, 0.0)
    o_ref[...] = jnp.dot(t, wt_ref[...],
                         preferred_element_type=jnp.float32) * dinv_ref[...]


def _pool_body(a0_ref, a1_ref, g_ref, dinv_ref, b_ref, batch_ref, out_ref,
               sums_s, counts_s):
    i = pl.program_id(0)
    h = (a0_ref[...] + a1_ref[...] + g_ref[...]) * dinv_ref[...] + b_ref[...]
    gids = lax.broadcasted_iota(jnp.int32, (G, _BLK), 0)
    onehot = (batch_ref[...].reshape(1, _BLK) == gids).astype(jnp.float32)
    part = jnp.dot(onehot, h, preferred_element_type=jnp.float32)
    cnt = jnp.broadcast_to(jnp.sum(onehot, axis=1, keepdims=True), (G, D))

    @pl.when(i == 0)
    def _init():
        sums_s[...] = part
        counts_s[...] = cnt

    @pl.when(i > 0)
    def _acc():
        sums_s[...] += part
        counts_s[...] += cnt

    @pl.when(i == _GRID - 1)
    def _fin():
        out_ref[...] = sums_s[...] / jnp.maximum(counts_s[...], 1.0)


_row_spec = pl.BlockSpec((_BLK, D), lambda i: (i, 0))
_col_spec = pl.BlockSpec((_BLK, 1), lambda i: (i, 0))
_full_spec = pl.BlockSpec((D, D), lambda i: (0, 0))
_bias_spec = pl.BlockSpec((1, D), lambda i: (0, 0))

_dense_first = pl.pallas_call(
    _dense_first_body,
    grid=(_GRID,),
    in_specs=[_row_spec, _col_spec, _full_spec],
    out_specs=_row_spec,
    out_shape=jax.ShapeDtypeStruct((N_PAD, D), jnp.float32),
)

_dense_mid = pl.pallas_call(
    _dense_mid_body,
    grid=(_GRID,),
    in_specs=[_row_spec, _row_spec, _row_spec, _col_spec, _bias_spec,
              _full_spec],
    out_specs=_row_spec,
    out_shape=jax.ShapeDtypeStruct((N_PAD, D), jnp.float32),
)

_pool = pl.pallas_call(
    _pool_body,
    grid=(_GRID,),
    in_specs=[_row_spec, _row_spec, _row_spec, _col_spec, _bias_spec,
              pl.BlockSpec((_BLK, 1), lambda i: (i, 0))],
    out_specs=pl.BlockSpec((G, D), lambda i: (0, 0)),
    out_shape=jax.ShapeDtypeStruct((G, D), jnp.float32),
    scratch_shapes=[pltpu.VMEM((G, D), jnp.float32),
                    pltpu.VMEM((G, D), jnp.float32)],
)



def _make_edges(edge_index):
    pad = N + (jnp.arange(E_IDX - E_TOT, dtype=jnp.int32) % (N_PAD - N))
    src = jnp.concatenate([edge_index[0].astype(jnp.int32), pad])
    dst = jnp.concatenate([edge_index[1].astype(jnp.int32), pad])
    return src, dst


@jax.jit
def _run_deg(edge_index):
    _, dst = _make_edges(edge_index)
    deg_parts = _deg_kernel()(dst)
    return deg_parts[:N_PAD, 0] + deg_parts[N_PAD:, 0]


@jax.jit
def _run_prep(deg, x, edge_index, W1):
    src, dst = _make_edges(edge_index)
    x_p = jnp.zeros((N_PAD, D), jnp.float32).at[:N].set(x)
    dinv = lax.rsqrt(deg + 1.0).reshape(N_PAD, 1)
    g = _dense_first(x_p, dinv, W1.T)
    return g, src, dst, dinv


@jax.jit
def _run_msg1(g, src, dst, dinv, b, Wn):
    a0, a1 = _msg_kernel()(g, src, dst)
    return _dense_mid(a0, a1, g, dinv, b.reshape(1, D), Wn.T)


_run_msg2 = _run_msg1


@jax.jit
def _run_msg3(g, src, dst, dinv, b, batch):
    a0, a1 = _msg_kernel()(g, src, dst)
    batch_p = jnp.full((N_PAD, 1), G, jnp.int32).at[:N, 0].set(
        batch.astype(jnp.int32))
    return _pool(a0, a1, g, dinv, b.reshape(1, D), batch_p)


def kernel(x, edge_index, batch, W1, b1, W2, b2, W3, b3):
    deg = _run_deg(edge_index)
    g, src, dst, dinv = _run_prep(deg, x, edge_index, W1)
    g = _run_msg1(g, src, dst, dinv, b1, W2)
    g = _run_msg2(g, src, dst, dinv, b2, W3)
    return _run_msg3(g, src, dst, dinv, b3, batch)

# --- scband reference (transcript-rebuilt; emitter-appended) ---
"""Pipeline reference for scband-gnnencoder-4750233830188 (READ-ONLY COPY).

The authoritative reference and input builder live on the scoring server;
editing this copy changes nothing except your own understanding.
"""

import jax, jax.numpy as jnp
import numpy as np

N = 10000
E = 320000
D_IN = 128
D_HID = 128
D_OUT = 128
G = 64


def setup_inputs(seed: int = 0) -> dict:
    key = jax.random.key(seed)
    k1, k2, k3, k4, k5, k6, k7, k8, k9 = jax.random.split(key, 9)
    x = jax.random.normal(k1, (N, D_IN), dtype=jnp.float32)
    edge_index = jax.random.randint(k2, (2, E), 0, N, dtype=jnp.int64)
    batch = jnp.sort(jax.random.randint(k3, (N,), 0, G, dtype=jnp.int64))
    s1 = 1.0 / np.sqrt(D_IN)
    s2 = 1.0 / np.sqrt(D_HID)
    W1 = jax.random.uniform(k4, (D_HID, D_IN), jnp.float32, -s1, s1)
    b1 = jnp.zeros((D_HID,), jnp.float32)
    W2 = jax.random.uniform(k5, (D_HID, D_HID), jnp.float32, -s2, s2)
    b2 = jnp.zeros((D_HID,), jnp.float32)
    W3 = jax.random.uniform(k6, (D_OUT, D_HID), jnp.float32, -s2, s2)
    b3 = jnp.zeros((D_OUT,), jnp.float32)
    return {"x": x, "edge_index": edge_index, "batch": batch,
            "W1": W1, "b1": b1, "W2": W2, "b2": b2, "W3": W3, "b3": b3}


def _gcn_conv(x, src, dst, W, b, n_nodes):
    # PyG GCNConv: linear, add self-loops (already in src/dst), symmetric norm, scatter-add, bias
    h = x @ W.T
    deg = jnp.zeros((n_nodes,), h.dtype).at[dst].add(1.0)
    dinv = jnp.where(deg > 0, deg ** -0.5, 0.0)
    norm = dinv[src] * dinv[dst]
    msg = h[src] * norm[:, None]
    out = jnp.zeros((n_nodes, h.shape[1]), h.dtype).at[dst].add(msg)
    return out + b


def reference(x, edge_index, batch, W1, b1, W2, b2, W3, b3):
    loops = jnp.arange(N, dtype=edge_index.dtype)
    src = jnp.concatenate([edge_index[0], loops])
    dst = jnp.concatenate([edge_index[1], loops])
    h = _gcn_conv(x, src, dst, W1, b1, N)
    h = jax.nn.relu(h)
    # dropout p=0.1 is identity in eval mode
    h = _gcn_conv(h, src, dst, W2, b2, N)
    h = jax.nn.relu(h)
    h = _gcn_conv(h, src, dst, W3, b3, N)
    # global_mean_pool over batch ids
    sums = jax.ops.segment_sum(h, batch, num_segments=G)
    counts = jax.ops.segment_sum(jnp.ones((N,), h.dtype), batch, num_segments=G)
    return sums / jnp.clip(counts, 1.0)[:, None]

if __name__ == "__main__":
    import jax
    _d = setup_inputs()
    print(jax.jit(kernel)(*tuple(_d.values())))

</pallas_src>

<mosaic_0001>
#map = affine_map<(d0, d1) -> (0)>
#map1 = affine_map<(d0, d1) -> (0, 0)>
module attributes {stable_mosaic.version = 14 : i64} {
  func.func @_deg_body(%arg0: i32, %arg1: i32, %arg2: memref<323968xi32, #tpu.memory_space<hbm>>, %arg3: memref<20480x128xf32, #tpu.memory_space<hbm>>, %arg4: memref<128xi32, #tpu.memory_space<vmem>>, %arg5: memref<128x128xf32, #tpu.memory_space<vmem>>, %arg6: memref<10240x128xf32, #tpu.memory_space<vmem_shared>>) attributes {dimension_semantics = [#tpu.dimension_semantics<core_parallel>, #tpu.dimension_semantics<subcore_parallel>], iteration_bounds = array<i64: 2, 16>, scalar_prefetch = 0 : i64, scratch_operands = 3 : i64, tpu.core_type = #tpu.core_type<sc_vector_subcore>, window_params = [{transform_indices = #map}, {transform_indices = #map1}]} {
    %mul3A = arith.constant 2 : i32
    %mul3A_0 = arith.muli %arg1, %mul3A : i32
    %add3A = arith.addi %mul3A_0, %arg0 : i32
    %scan3A = arith.constant 0 : i32
    %scan3A_1 = arith.constant 0 : i32
    %scan3A_2 = arith.constant 128 : i32
    %scan3A_3 = arith.addi %scan3A_1, %scan3A_2 : i32
    %scan3A_4 = arith.constant 1 : i32
    scf.for %scan3A_46 = %scan3A_1 to %scan3A_3 step %scan3A_4  : i32 {
      %broadcast_in_dim3A = arith.constant 0.000000e+00 : f32
      %broadcast_in_dim3A_47 = vector.broadcast %broadcast_in_dim3A : f32 to vector<16xf32>
      %swap3A = arith.index_cast %scan3A_46 : i32 to index
      %swap3A_48 = arith.constant 0 : index
      %swap3A_49 = tpu.vector_load %arg5[%swap3A, %swap3A_48] {strides = array<i32>} : memref<128x128xf32, #tpu.memory_space<vmem>>, vector<1x16xf32>,
      %swap3A_50 = vector.shape_cast %swap3A_49 : vector<1x16xf32> to vector<16xf32>
      %swap3A_51 = vector.shape_cast %broadcast_in_dim3A_47 : vector<16xf32> to vector<1x16xf32>
      tpu.vector_store %arg5[%swap3A, %swap3A_48], %swap3A_51 {strides = array<i32>} : memref<128x128xf32, #tpu.memory_space<vmem>>, vector<1x16xf32>,
      %broadcast_in_dim3A_52 = arith.constant 0.000000e+00 : f32
      %broadcast_in_dim3A_53 = vector.broadcast %broadcast_in_dim3A_52 : f32 to vector<16xf32>
      %swap3A_54 = arith.index_cast %scan3A_46 : i32 to index
      %swap3A_55 = arith.constant 16 : index
      %swap3A_56 = tpu.vector_load %arg5[%swap3A_54, %swap3A_55] {strides = array<i32>} : memref<128x128xf32, #tpu.memory_space<vmem>>, vector<1x16xf32>,
      %swap3A_57 = vector.shape_cast %swap3A_56 : vector<1x16xf32> to vector<16xf32>
      %swap3A_58 = vector.shape_cast %broadcast_in_dim3A_53 : vector<16xf32> to vector<1x16xf32>
      tpu.vector_store %arg5[%swap3A_54, %swap3A_55], %swap3A_58 {strides = array<i32>} : memref<128x128xf32, #tpu.memory_space<vmem>>, vector<1x16xf32>,
      %broadcast_in_dim3A_59 = arith.constant 0.000000e+00 : f32
      %broadcast_in_dim3A_60 = vector.broadcast %broadcast_in_dim3A_59 : f32 to vector<16xf32>
      %swap3A_61 = arith.index_cast %scan3A_46 : i32 to index
      %swap3A_62 = arith.constant 32 : index
      %swap3A_63 = tpu.vector_load %arg5[%swap3A_61, %swap3A_62] {strides = array<i32>} : memref<128x128xf32, #tpu.memory_space<vmem>>, vector<1x16xf32>,
      %swap3A_64 = vector.shape_cast %swap3A_63 : vector<1x16xf32> to vector<16xf32>
      %swap3A_65 = vector.shape_cast %broadcast_in_dim3A_60 : vector<16xf32> to vector<1x16xf32>
      tpu.vector_store %arg5[%swap3A_61, %swap3A_62], %swap3A_65 {strides = array<i32>} : memref<128x128xf32, #tpu.memory_space<vmem>>, vector<1x16xf32>,
      %broadcast_in_dim3A_66 = arith.constant 0.000000e+00 : f32
      %broadcast_in_dim3A_67 = vector.broadcast %broadcast_in_dim3A_66 : f32 to vector<16xf32>
      %swap3A_68 = arith.index_cast %scan3A_46 : i32 to index
      %swap3A_69 = arith.constant 48 : index
      %swap3A_70 = tpu.vector_load %arg5[%swap3A_68, %swap3A_69] {strides = array<i32>} : memref<128x128xf32, #tpu.memory_space<vmem>>, vector<1x16xf32>,
      %swap3A_71 = vector.shape_cast %swap3A_70 : vector<1x16xf32> to vector<16xf32>
      %swap3A_72 = vector.shape_cast %broadcast_in_dim3A_67 : vector<16xf32> to vector<1x16xf32>
      tpu.vector_store %arg5[%swap3A_68, %swap3A_69], %swap3A_72 {strides = array<i32>} : memref<128x128xf32, #tpu.memory_space<vmem>>, vector<1x16xf32>,
      %broadcast_in_dim3A_73 = arith.constant 0.000000e+00 : f32
      %broadcast_in_dim3A_74 = vector.broadcast %broadcast_in_dim3A_73 : f32 to vector<16xf32>
      %swap3A_75 = arith.index_cast %scan3A_46 : i32 to index
      %swap3A_76 = arith.constant 64 : index
      %swap3A_77 = tpu.vector_load %arg5[%swap3A_75, %swap3A_76] {strides = array<i32>} : memref<128x128xf32, #tpu.memory_space<vmem>>, vector<1x16xf32>,
      %swap3A_78 = vector.shape_cast %swap3A_77 : vector<1x16xf32> to vector<16xf32>
      %swap3A_79 = vector.shape_cast %broadcast_in_dim3A_74 : vector<16xf32> to vector<1x16xf32>
      tpu.vector_store %arg5[%swap3A_75, %swap3A_76], %swap3A_79 {strides = array<i32>} : memref<128x128xf32, #tpu.memory_space<vmem>>, vector<1x16xf32>,
      %broadcast_in_dim3A_80 = arith.constant 0.000000e+00 : f32
      %broadcast_in_dim3A_81 = vector.broadcast %broadcast_in_dim3A_80 : f32 to vector<16xf32>
      %swap3A_82 = arith.index_cast %scan3A_46 : i32 to index
      %swap3A_83 = arith.constant 80 : index
      %swap3A_84 = tpu.vector_load %arg5[%swap3A_82, %swap3A_83] {strides = array<i32>} : memref<128x128xf32, #tpu.memory_space<vmem>>, vector<1x16xf32>,
      %swap3A_85 = vector.shape_cast %swap3A_84 : vector<1x16xf32> to vector<16xf32>
      %swap3A_86 = vector.shape_cast %broadcast_in_dim3A_81 : vector<16xf32> to vector<1x16xf32>
      tpu.vector_store %arg5[%swap3A_82, %swap3A_83], %swap3A_86 {strides = array<i32>} : memref<128x128xf32, #tpu.memory_space<vmem>>, vector<1x16xf32>,
      %broadcast_in_dim3A_87 = arith.constant 0.000000e+00 : f32
      %broadcast_in_dim3A_88 = vector.broadcast %broadcast_in_dim3A_87 : f32 to vector<16xf32>
      %swap3A_89 = arith.index_cast %scan3A_46 : i32 to index
      %swap3A_90 = arith.constant 96 : index
      %swap3A_91 = tpu.vector_load %arg5[%swap3A_89, %swap3A_90] {strides = array<i32>} : memref<128x128xf32, #tpu.memory_space<vmem>>, vector<1x16xf32>,
      %swap3A_92 = vector.shape_cast %swap3A_91 : vector<1x16xf32> to vector<16xf32>
      %swap3A_93 = vector.shape_cast %broadcast_in_dim3A_88 : vector<16xf32> to vector<1x16xf32>
      tpu.vector_store %arg5[%swap3A_89, %swap3A_90], %swap3A_93 {strides = array<i32>} : memref<128x128xf32, #tpu.memory_space<vmem>>, vector<1x16xf32>,
      %broadcast_in_dim3A_94 = arith.constant 0.000000e+00 : f32
      %broadcast_in_dim3A_95 = vector.broadcast %broadcast_in_dim3A_94 : f32 to vector<16xf32>
      %swap3A_96 = arith.index_cast %scan3A_46 : i32 to index
      %swap3A_97 = arith.constant 112 : index
      %swap3A_98 = tpu.vector_load %arg5[%swap3A_96, %swap3A_97] {strides = array<i32>} : memref<128x128xf32, #tpu.memory_space<vmem>>, vector<1x16xf32>,
      %swap3A_99 = vector.shape_cast %swap3A_98 : vector<1x16xf32> to vector<16xf32>
      %swap3A_100 = vector.shape_cast %broadcast_in_dim3A_95 : vector<16xf32> to vector<1x16xf32>
      tpu.vector_store %arg5[%swap3A_96, %swap3A_97], %swap3A_100 {strides = array<i32>} : memref<128x128xf32, #tpu.memory_space<vmem>>, vector<1x16xf32>,
    }
    %scan3A_5 = arith.constant 128 : i32
    %mul3A_6 = arith.constant 640 : i32
    %mul3A_7 = arith.muli %arg1, %mul3A_6 : i32
    %add3A_8 = arith.constant 0 : i32
    %add3A_9 = arith.addi %mul3A_7, %add3A_8 : i32
    "tpu.region"() ({
      %run_scoped3A = tpu.sem_alloc : memref<!tpu.dma_semaphore, #tpu.memory_space<semaphore_mem>>
      %dma_start3A = arith.constant 0 : i32
      %dma_start3A_46 = tpu.memref_slice %arg6[%add3A_9, %dma_start3A] : memref<10240x128xf32, #tpu.memory_space<vmem_shared>> -> memref<128x128xf32, #tpu.memory_space<vmem_shared>>
      %dma_start3A_47 = arith.constant 0 : i32
      %dma_start3A_48 = tpu.memref_slice %arg6[%add3A_9, %dma_start3A_47] : memref<10240x128xf32, #tpu.memory_space<vmem_shared>> -> memref<128x128xf32, #tpu.memory_space<vmem_shared>>
      tpu.enqueue_dma source(%arg5 : memref<128x128xf32, #tpu.memory_space<vmem>>) target(%dma_start3A_48 : memref<128x128xf32, #tpu.memory_space<vmem_shared>>) target_semaphore(%run_scoped3A : memref<!tpu.dma_semaphore, #tpu.memory_space<semaphore_mem>>)
      %dma_wait3A = arith.constant 0 : i32
      %dma_wait3A_49 = tpu.memref_slice %arg6[%add3A_9, %dma_wait3A] : memref<10240x128xf32, #tpu.memory_space<vmem_shared>> -> memref<128x128xf32, #tpu.memory_space<vmem_shared>>
      %dma_wait3A_50 = arith.constant 0 : i32
      %dma_wait3A_51 = tpu.memref_slice %arg6[%add3A_9, %dma_wait3A_50] : memref<10240x128xf32, #tpu.memory_space<vmem_shared>> -> memref<128x128xf32, #tpu.memory_space<vmem_shared>>
      tpu.wait_dma2 semaphore(%run_scoped3A : memref<!tpu.dma_semaphore, #tpu.memory_space<semaphore_mem>>) src(%arg5 : memref<128x128xf32, #tpu.memory_space<vmem>>) dst(%dma_wait3A_51 : memref<128x128xf32, #tpu.memory_space<vmem_shared>>)
      tpu.yield
    }) : () -> ()
    %mul3A_10 = arith.constant 640 : i32
    %mul3A_11 = arith.muli %arg1, %mul3A_10 : i32
    %add3A_12 = arith.constant 128 : i32
    %add3A_13 = arith.addi %mul3A_11, %add3A_12 : i32
    "tpu.region"() ({
      %run_scoped3A = tpu.sem_alloc : memref<!tpu.dma_semaphore, #tpu.memory_space<semaphore_mem>>
      %dma_start3A = arith.constant 0 : i32
      %dma_start3A_46 = tpu.memref_slice %arg6[%add3A_13, %dma_start3A] : memref<10240x128xf32, #tpu.memory_space<vmem_shared>> -> memref<128x128xf32, #tpu.memory_space<vmem_shared>>
      %dma_start3A_47 = arith.constant 0 : i32
      %dma_start3A_48 = tpu.memref_slice %arg6[%add3A_13, %dma_start3A_47] : memref<10240x128xf32, #tpu.memory_space<vmem_shared>> -> memref<128x128xf32, #tpu.memory_space<vmem_shared>>
      tpu.enqueue_dma source(%arg5 : memref<128x128xf32, #tpu.memory_space<vmem>>) target(%dma_start3A_48 : memref<128x128xf32, #tpu.memory_space<vmem_shared>>) target_semaphore(%run_scoped3A : memref<!tpu.dma_semaphore, #tpu.memory_space<semaphore_mem>>)
      %dma_wait3A = arith.constant 0 : i32
      %dma_wait3A_49 = tpu.memref_slice %arg6[%add3A_13, %dma_wait3A] : memref<10240x128xf32, #tpu.memory_space<vmem_shared>> -> memref<128x128xf32, #tpu.memory_space<vmem_shared>>
      %dma_wait3A_50 = arith.constant 0 : i32
      %dma_wait3A_51 = tpu.memref_slice %arg6[%add3A_13, %dma_wait3A_50] : memref<10240x128xf32, #tpu.memory_space<vmem_shared>> -> memref<128x128xf32, #tpu.memory_space<vmem_shared>>
      tpu.wait_dma2 semaphore(%run_scoped3A : memref<!tpu.dma_semaphore, #tpu.memory_space<semaphore_mem>>) src(%arg5 : memref<128x128xf32, #tpu.memory_space<vmem>>) dst(%dma_wait3A_51 : memref<128x128xf32, #tpu.memory_space<vmem_shared>>)
      tpu.yield
    }) : () -> ()
    %mul3A_14 = arith.constant 640 : i32
    %mul3A_15 = arith.muli %arg1, %mul3A_14 : i32
    %add3A_16 = arith.constant 256 : i32
    %add3A_17 = arith.addi %mul3A_15, %add3A_16 : i32
    "tpu.region"() ({
      %run_scoped3A = tpu.sem_alloc : memref<!tpu.dma_semaphore, #tpu.memory_space<semaphore_mem>>
      %dma_start3A = arith.constant 0 : i32
      %dma_start3A_46 = tpu.memref_slice %arg6[%add3A_17, %dma_start3A] : memref<10240x128xf32, #tpu.memory_space<vmem_shared>> -> memref<128x128xf32, #tpu.memory_space<vmem_shared>>
      %dma_start3A_47 = arith.constant 0 : i32
      %dma_start3A_48 = tpu.memref_slice %arg6[%add3A_17, %dma_start3A_47] : memref<10240x128xf32, #tpu.memory_space<vmem_shared>> -> memref<128x128xf32, #tpu.memory_space<vmem_shared>>
      tpu.enqueue_dma source(%arg5 : memref<128x128xf32, #tpu.memory_space<vmem>>) target(%dma_start3A_48 : memref<128x128xf32, #tpu.memory_space<vmem_shared>>) target_semaphore(%run_scoped3A : memref<!tpu.dma_semaphore, #tpu.memory_space<semaphore_mem>>)
      %dma_wait3A = arith.constant 0 : i32
      %dma_wait3A_49 = tpu.memref_slice %arg6[%add3A_17, %dma_wait3A] : memref<10240x128xf32, #tpu.memory_space<vmem_shared>> -> memref<128x128xf32, #tpu.memory_space<vmem_shared>>
      %dma_wait3A_50 = arith.constant 0 : i32
      %dma_wait3A_51 = tpu.memref_slice %arg6[%add3A_17, %dma_wait3A_50] : memref<10240x128xf32, #tpu.memory_space<vmem_shared>> -> memref<128x128xf32, #tpu.memory_space<vmem_shared>>
      tpu.wait_dma2 semaphore(%run_scoped3A : memref<!tpu.dma_semaphore, #tpu.memory_space<semaphore_mem>>) src(%arg5 : memref<128x128xf32, #tpu.memory_space<vmem>>) dst(%dma_wait3A_51 : memref<128x128xf32, #tpu.memory_space<vmem_shared>>)
      tpu.yield
    }) : () -> ()
    %mul3A_18 = arith.constant 640 : i32
    %mul3A_19 = arith.muli %arg1, %mul3A_18 : i32
    %add3A_20 = arith.constant 384 : i32
    %add3A_21 = arith.addi %mul3A_19, %add3A_20 : i32
    "tpu.region"() ({
      %run_scoped3A = tpu.sem_alloc : memref<!tpu.dma_semaphore, #tpu.memory_space<semaphore_mem>>
      %dma_start3A = arith.constant 0 : i32
      %dma_start3A_46 = tpu.memref_slice %arg6[%add3A_21, %dma_start3A] : memref<10240x128xf32, #tpu.memory_space<vmem_shared>> -> memref<128x128xf32, #tpu.memory_space<vmem_shared>>
      %dma_start3A_47 = arith.constant 0 : i32
      %dma_start3A_48 = tpu.memref_slice %arg6[%add3A_21, %dma_start3A_47] : memref<10240x128xf32, #tpu.memory_space<vmem_shared>> -> memref<128x128xf32, #tpu.memory_space<vmem_shared>>
      tpu.enqueue_dma source(%arg5 : memref<128x128xf32, #tpu.memory_space<vmem>>) target(%dma_start3A_48 : memref<128x128xf32, #tpu.memory_space<vmem_shared>>) target_semaphore(%run_scoped3A : memref<!tpu.dma_semaphore, #tpu.memory_space<semaphore_mem>>)
      %dma_wait3A = arith.constant 0 : i32
      %dma_wait3A_49 = tpu.memref_slice %arg6[%add3A_21, %dma_wait3A] : memref<10240x128xf32, #tpu.memory_space<vmem_shared>> -> memref<128x128xf32, #tpu.memory_space<vmem_shared>>
      %dma_wait3A_50 = arith.constant 0 : i32
      %dma_wait3A_51 = tpu.memref_slice %arg6[%add3A_21, %dma_wait3A_50] : memref<10240x128xf32, #tpu.memory_space<vmem_shared>> -> memref<128x128xf32, #tpu.memory_space<vmem_shared>>
      tpu.wait_dma2 semaphore(%run_scoped3A : memref<!tpu.dma_semaphore, #tpu.memory_space<semaphore_mem>>) src(%arg5 : memref<128x128xf32, #tpu.memory_space<vmem>>) dst(%dma_wait3A_51 : memref<128x128xf32, #tpu.memory_space<vmem_shared>>)
      tpu.yield
    }) : () -> ()
    %mul3A_22 = arith.constant 640 : i32
    %mul3A_23 = arith.muli %arg1, %mul3A_22 : i32
    %add3A_24 = arith.constant 512 : i32
    %add3A_25 = arith.addi %mul3A_23, %add3A_24 : i32
    "tpu.region"() ({
      %run_scoped3A = tpu.sem_alloc : memref<!tpu.dma_semaphore, #tpu.memory_space<semaphore_mem>>
      %dma_start3A = arith.constant 0 : i32
      %dma_start3A_46 = tpu.memref_slice %arg6[%add3A_25, %dma_start3A] : memref<10240x128xf32, #tpu.memory_space<vmem_shared>> -> memref<128x128xf32, #tpu.memory_space<vmem_shared>>
      %dma_start3A_47 = arith.constant 0 : i32
      %dma_start3A_48 = tpu.memref_slice %arg6[%add3A_25, %dma_start3A_47] : memref<10240x128xf32, #tpu.memory_space<vmem_shared>> -> memref<128x128xf32, #tpu.memory_space<vmem_shared>>
      tpu.enqueue_dma source(%arg5 : memref<128x128xf32, #tpu.memory_space<vmem>>) target(%dma_start3A_48 : memref<128x128xf32, #tpu.memory_space<vmem_shared>>) target_semaphore(%run_scoped3A : memref<!tpu.dma_semaphore, #tpu.memory_space<semaphore_mem>>)
      %dma_wait3A = arith.constant 0 : i32
      %dma_wait3A_49 = tpu.memref_slice %arg6[%add3A_25, %dma_wait3A] : memref<10240x128xf32, #tpu.memory_space<vmem_shared>> -> memref<128x128xf32, #tpu.memory_space<vmem_shared>>
      %dma_wait3A_50 = arith.constant 0 : i32
      %dma_wait3A_51 = tpu.memref_slice %arg6[%add3A_25, %dma_wait3A_50] : memref<10240x128xf32, #tpu.memory_space<vmem_shared>> -> memref<128x128xf32, #tpu.memory_space<vmem_shared>>
      tpu.wait_dma2 semaphore(%run_scoped3A : memref<!tpu.dma_semaphore, #tpu.memory_space<semaphore_mem>>) src(%arg5 : memref<128x128xf32, #tpu.memory_space<vmem>>) dst(%dma_wait3A_51 : memref<128x128xf32, #tpu.memory_space<vmem_shared>>)
      tpu.yield
    }) : () -> ()
    %scan3A_26 = arith.constant 0 : i32
    %scan3A_27 = arith.constant 0 : i32
    %scan3A_28 = arith.constant 128 : i32
    %scan3A_29 = arith.addi %scan3A_27, %scan3A_28 : i32
    %scan3A_30 = arith.constant 1 : i32
    scf.for %scan3A_46 = %scan3A_27 to %scan3A_29 step %scan3A_30  : i32 {
      %broadcast_in_dim3A = arith.constant 1.000000e+00 : f32
      %broadcast_in_dim3A_47 = vector.broadcast %broadcast_in_dim3A : f32 to vector<16xf32>
      %swap3A = arith.index_cast %scan3A_46 : i32 to index
      %swap3A_48 = arith.constant 0 : index
      %swap3A_49 = tpu.vector_load %arg5[%swap3A, %swap3A_48] {strides = array<i32>} : memref<128x128xf32, #tpu.memory_space<vmem>>, vector<1x16xf32>,
      %swap3A_50 = vector.shape_cast %swap3A_49 : vector<1x16xf32> to vector<16xf32>
      %swap3A_51 = vector.shape_cast %broadcast_in_dim3A_47 : vector<16xf32> to vector<1x16xf32>
      tpu.vector_store %arg5[%swap3A, %swap3A_48], %swap3A_51 {strides = array<i32>} : memref<128x128xf32, #tpu.memory_space<vmem>>, vector<1x16xf32>,
      %broadcast_in_dim3A_52 = arith.constant 1.000000e+00 : f32
      %broadcast_in_dim3A_53 = vector.broadcast %broadcast_in_dim3A_52 : f32 to vector<16xf32>
      %swap3A_54 = arith.index_cast %scan3A_46 : i32 to index
      %swap3A_55 = arith.constant 16 : index
      %swap3A_56 = tpu.vector_load %arg5[%swap3A_54, %swap3A_55] {strides = array<i32>} : memref<128x128xf32, #tpu.memory_space<vmem>>, vector<1x16xf32>,
      %swap3A_57 = vector.shape_cast %swap3A_56 : vector<1x16xf32> to vector<16xf32>
      %swap3A_58 = vector.shape_cast %broadcast_in_dim3A_53 : vector<16xf32> to vector<1x16xf32>
      tpu.vector_store %arg5[%swap3A_54, %swap3A_55], %swap3A_58 {strides = array<i32>} : memref<128x128xf32, #tpu.memory_space<vmem>>, vector<1x16xf32>,
      %broadcast_in_dim3A_59 = arith.constant 1.000000e+00 : f32
      %broadcast_in_dim3A_60 = vector.broadcast %broadcast_in_dim3A_59 : f32 to vector<16xf32>
      %swap3A_61 = arith.index_cast %scan3A_46 : i32 to index
      %swap3A_62 = arith.constant 32 : index
      %swap3A_63 = tpu.vector_load %arg5[%swap3A_61, %swap3A_62] {strides = array<i32>} : memref<128x128xf32, #tpu.memory_space<vmem>>, vector<1x16xf32>,
      %swap3A_64 = vector.shape_cast %swap3A_63 : vector<1x16xf32> to vector<16xf32>
      %swap3A_65 = vector.shape_cast %broadcast_in_dim3A_60 : vector<16xf32> to vector<1x16xf32>
      tpu.vector_store %arg5[%swap3A_61, %swap3A_62], %swap3A_65 {strides = array<i32>} : memref<128x128xf32, #tpu.memory_space<vmem>>, vector<1x16xf32>,
      %broadcast_in_dim3A_66 = arith.constant 1.000000e+00 : f32
      %broadcast_in_dim3A_67 = vector.broadcast %broadcast_in_dim3A_66 : f32 to vector<16xf32>
      %swap3A_68 = arith.index_cast %scan3A_46 : i32 to index
      %swap3A_69 = arith.constant 48 : index
      %swap3A_70 = tpu.vector_load %arg5[%swap3A_68, %swap3A_69] {strides = array<i32>} : memref<128x128xf32, #tpu.memory_space<vmem>>, vector<1x16xf32>,
      %swap3A_71 = vector.shape_cast %swap3A_70 : vector<1x16xf32> to vector<16xf32>
      %swap3A_72 = vector.shape_cast %broadcast_in_dim3A_67 : vector<16xf32> to vector<1x16xf32>
      tpu.vector_store %arg5[%swap3A_68, %swap3A_69], %swap3A_72 {strides = array<i32>} : memref<128x128xf32, #tpu.memory_space<vmem>>, vector<1x16xf32>,
      %broadcast_in_dim3A_73 = arith.constant 1.000000e+00 : f32
      %broadcast_in_dim3A_74 = vector.broadcast %broadcast_in_dim3A_73 : f32 to vector<16xf32>
      %swap3A_75 = arith.index_cast %scan3A_46 : i32 to index
      %swap3A_76 = arith.constant 64 : index
      %swap3A_77 = tpu.vector_load %arg5[%swap3A_75, %swap3A_76] {strides = array<i32>} : memref<128x128xf32, #tpu.memory_space<vmem>>, vector<1x16xf32>,
      %swap3A_78 = vector.shape_cast %swap3A_77 : vector<1x16xf32> to vector<16xf32>
      %swap3A_79 = vector.shape_cast %broadcast_in_dim3A_74 : vector<16xf32> to vector<1x16xf32>
      tpu.vector_store %arg5[%swap3A_75, %swap3A_76], %swap3A_79 {strides = array<i32>} : memref<128x128xf32, #tpu.memory_space<vmem>>, vector<1x16xf32>,
      %broadcast_in_dim3A_80 = arith.constant 1.000000e+00 : f32
      %broadcast_in_dim3A_81 = vector.broadcast %broadcast_in_dim3A_80 : f32 to vector<16xf32>
      %swap3A_82 = arith.index_cast %scan3A_46 : i32 to index
      %swap3A_83 = arith.constant 80 : index
      %swap3A_84 = tpu.vector_load %arg5[%swap3A_82, %swap3A_83] {strides = array<i32>} : memref<128x128xf32, #tpu.memory_space<vmem>>, vector<1x16xf32>,
      %swap3A_85 = vector.shape_cast %swap3A_84 : vector<1x16xf32> to vector<16xf32>
      %swap3A_86 = vector.shape_cast %broadcast_in_dim3A_81 : vector<16xf32> to vector<1x16xf32>
      tpu.vector_store %arg5[%swap3A_82, %swap3A_83], %swap3A_86 {strides = array<i32>} : memref<128x128xf32, #tpu.memory_space<vmem>>, vector<1x16xf32>,
      %broadcast_in_dim3A_87 = arith.constant 1.000000e+00 : f32
      %broadcast_in_dim3A_88 = vector.broadcast %broadcast_in_dim3A_87 : f32 to vector<16xf32>
      %swap3A_89 = arith.index_cast %scan3A_46 : i32 to index
      %swap3A_90 = arith.constant 96 : index
      %swap3A_91 = tpu.vector_load %arg5[%swap3A_89, %swap3A_90] {strides = array<i32>} : memref<128x128xf32, #tpu.memory_space<vmem>>, vector<1x16xf32>,
      %swap3A_92 = vector.shape_cast %swap3A_91 : vector<1x16xf32> to vector<16xf32>
      %swap3A_93 = vector.shape_cast %broadcast_in_dim3A_88 : vector<16xf32> to vector<1x16xf32>
      tpu.vector_store %arg5[%swap3A_89, %swap3A_90], %swap3A_93 {strides = array<i32>} : memref<128x128xf32, #tpu.memory_space<vmem>>, vector<1x16xf32>,
      %broadcast_in_dim3A_94 = arith.constant 1.000000e+00 : f32
      %broadcast_in_dim3A_95 = vector.broadcast %broadcast_in_dim3A_94 : f32 to vector<16xf32>
      %swap3A_96 = arith.index_cast %scan3A_46 : i32 to index
      %swap3A_97 = arith.constant 112 : index
      %swap3A_98 = tpu.vector_load %arg5[%swap3A_96, %swap3A_97] {strides = array<i32>} : memref<128x128xf32, #tpu.memory_space<vmem>>, vector<1x16xf32>,
      %swap3A_99 = vector.shape_cast %swap3A_98 : vector<1x16xf32> to vector<16xf32>
      %swap3A_100 = vector.shape_cast %broadcast_in_dim3A_95 : vector<16xf32> to vector<1x16xf32>
      tpu.vector_store %arg5[%swap3A_96, %swap3A_97], %swap3A_100 {strides = array<i32>} : memref<128x128xf32, #tpu.memory_space<vmem>>, vector<1x16xf32>,
    }
    %scan3A_31 = arith.constant 128 : i32
    %barrier3A = arith.constant 0 : index
    tpu.barrier barrier_id(%barrier3A)
    %scan3A_32 = arith.constant 0 : i32
    %scan3A_33 = arith.constant 0 : i32
    %scan3A_34 = arith.constant 79 : i32
    %scan3A_35 = arith.addi %scan3A_33, %scan3A_34 : i32
    %scan3A_36 = arith.constant 1 : i32
    scf.for %scan3A_46 = %scan3A_33 to %scan3A_35 step %scan3A_36  : i32 {
      %mul3A_47 = arith.constant 10112 : i32
      %mul3A_48 = arith.muli %add3A, %mul3A_47 : i32
      %mul3A_49 = arith.constant 128 : i32
      %mul3A_50 = arith.muli %scan3A_46, %mul3A_49 : i32
      %add3A_51 = arith.addi %mul3A_48, %mul3A_50 : i32
      "tpu.region"() ({
        %run_scoped3A = tpu.sem_alloc : memref<!tpu.dma_semaphore, #tpu.memory_space<semaphore_mem>>
        %dma_start3A = tpu.memref_slice %arg2[%add3A_51] : memref<323968xi32, #tpu.memory_space<hbm>> -> memref<128xi32, #tpu.memory_space<hbm>>
        %dma_start3A_52 = tpu.memref_slice %arg2[%add3A_51] : memref<323968xi32, #tpu.memory_space<hbm>> -> memref<128xi32, #tpu.memory_space<hbm>>
        tpu.enqueue_dma source(%dma_start3A_52 : memref<128xi32, #tpu.memory_space<hbm>>) target(%arg4 : memref<128xi32, #tpu.memory_space<vmem>>) target_semaphore(%run_scoped3A : memref<!tpu.dma_semaphore, #tpu.memory_space<semaphore_mem>>)
        %dma_wait3A = tpu.memref_slice %arg2[%add3A_51] : memref<323968xi32, #tpu.memory_space<hbm>> -> memref<128xi32, #tpu.memory_space<hbm>>
        %dma_wait3A_53 = tpu.memref_slice %arg2[%add3A_51] : memref<323968xi32, #tpu.memory_space<hbm>> -> memref<128xi32, #tpu.memory_space<hbm>>
        tpu.wait_dma2 semaphore(%run_scoped3A : memref<!tpu.dma_semaphore, #tpu.memory_space<semaphore_mem>>) src(%dma_wait3A_53 : memref<128xi32, #tpu.memory_space<hbm>>) dst(%arg4 : memref<128xi32, #tpu.memory_space<vmem>>)
        tpu.yield
      }) : () -> ()
      "tpu.region"() ({
        %run_scoped3A = tpu.sem_alloc : memref<!tpu.dma_semaphore, #tpu.memory_space<semaphore_mem>>
        %dma_start3A = arith.constant 0 : i32
        %dma_start3A_52 = arith.constant 0 : i32
        %dma_start3A_53 = tpu.memref_slice %arg6[%dma_start3A, %dma_start3A_52] : memref<10240x128xf32, #tpu.memory_space<vmem_shared>> -> memref<10240x128xf32, #tpu.memory_space<vmem_shared>>
        tpu.enqueue_indirect_dma source(%arg5 : memref<128x128xf32, #tpu.memory_space<vmem>>) target(%dma_start3A_53 : memref<10240x128xf32, #tpu.memory_space<vmem_shared>>) offsets(%arg4 : memref<128xi32, #tpu.memory_space<vmem>>) semaphore(%run_scoped3A : memref<!tpu.dma_semaphore, #tpu.memory_space<semaphore_mem>>) {add = true}
        %dma_wait3A = arith.constant 0 : i32
        %dma_wait3A_54 = arith.constant 0 : i32
        %dma_wait3A_55 = tpu.memref_slice %arg6[%dma_wait3A, %dma_wait3A_54] : memref<10240x128xf32, #tpu.memory_space<vmem_shared>> -> memref<10240x128xf32, #tpu.memory_space<vmem_shared>>
        tpu.wait_indirect_dma semaphore(%run_scoped3A : memref<!tpu.dma_semaphore, #tpu.memory_space<semaphore_mem>>) src(%arg5 : memref<128x128xf32, #tpu.memory_space<vmem>>) dst(%dma_wait3A_55 : memref<10240x128xf32, #tpu.memory_space<vmem_shared>>)
        tpu.yield
      }) : () -> ()
    }
    %scan3A_37 = arith.constant 79 : i32
    %barrier3A_38 = arith.constant 0 : index
    tpu.barrier barrier_id(%barrier3A_38)
    %mul3A_39 = arith.constant 640 : i32
    %mul3A_40 = arith.muli %arg1, %mul3A_39 : i32
    %mul3A_41 = arith.constant 10240 : i32
    %mul3A_42 = arith.muli %arg0, %mul3A_41 : i32
    %mul3A_43 = arith.constant 640 : i32
    %mul3A_44 = arith.muli %arg1, %mul3A_43 : i32
    %add3A_45 = arith.addi %mul3A_42, %mul3A_44 : i32
    "tpu.region"() ({
      %run_scoped3A = tpu.sem_alloc : memref<!tpu.dma_semaphore, #tpu.memory_space<semaphore_mem>>
      %dma_start3A = arith.constant 0 : i32
      %dma_start3A_46 = tpu.memref_slice %arg3[%add3A_45, %dma_start3A] : memref<20480x128xf32, #tpu.memory_space<hbm>> -> memref<640x128xf32, #tpu.memory_space<hbm>>
      %dma_start3A_47 = arith.constant 0 : i32
      %dma_start3A_48 = tpu.memref_slice %arg6[%mul3A_40, %dma_start3A_47] : memref<10240x128xf32, #tpu.memory_space<vmem_shared>> -> memref<640x128xf32, #tpu.memory_space<vmem_shared>>
      tpu.enqueue_dma source(%dma_start3A_48 : memref<640x128xf32, #tpu.memory_space<vmem_shared>>) target(%dma_start3A_46 : memref<640x128xf32, #tpu.memory_space<hbm>>) target_semaphore(%run_scoped3A : memref<!tpu.dma_semaphore, #tpu.memory_space<semaphore_mem>>)
      %dma_wait3A = arith.constant 0 : i32
      %dma_wait3A_49 = tpu.memref_slice %arg3[%add3A_45, %dma_wait3A] : memref<20480x128xf32, #tpu.memory_space<hbm>> -> memref<640x128xf32, #tpu.memory_space<hbm>>
      %dma_wait3A_50 = arith.constant 0 : i32
      %dma_wait3A_51 = tpu.memref_slice %arg6[%mul3A_40, %dma_wait3A_50] : memref<10240x128xf32, #tpu.memory_space<vmem_shared>> -> memref<640x128xf32, #tpu.memory_space<vmem_shared>>
      tpu.wait_dma2 semaphore(%run_scoped3A : memref<!tpu.dma_semaphore, #tpu.memory_space<semaphore_mem>>) src(%dma_wait3A_51 : memref<640x128xf32, #tpu.memory_space<vmem_shared>>) dst(%dma_wait3A_49 : memref<640x128xf32, #tpu.memory_space<hbm>>)
      tpu.yield
    }) : () -> ()
    return
  }
}

</mosaic_0001>

<sc_bundles>
// kernel: _run_deg.3.cloned.1.call-start
scs
__scs_entry_jumppad:
0x0: {  	(pc) =	sbr.rel $0x88, $3  }
0x1: {  	(tag) =	ssettag $0x0;
	lr =	simm.s32 $0x1  }
0x2: {  	[smem:$0x3FA0] =	sst lr;
	_ =	strace $0xD0000000  }
0x3: {  	_ = 	snop  }
0x4: {  	_ = 	snop  }
0x5: {  	_ = 	snop  }
0x6: {  	_ = 	snop  }
0x7: {  	_ = 	snop  }
__scs_overlays_trampoline_lowered:
0x8: {  	[smem:$0x3FAF] =	sst s0  }
0x9: {  	[smem:$0x3FB0] =	sst s1  }
0xa: {  	[smem:$0x3FB1] =	sst s2  }
0xb: {  	[smem:$0x3FB2] =	sst s3  }
0xc: {  	[smem:$0x3FB3] =	sst s4  }
0xd: {  	[smem:$0x3FB4] =	sst s5  }
0xe: {  	[smem:$0x3FB5] =	sst s6  }
0xf: {  	[smem:$0x3FB6] =	sst s7  }
0x10: {  	[smem:$0x3FB7] =	sst s8  }
0x11: {  	[smem:$0x3FB8] =	sst s9;
	s0 =	simm.s32 @!p0 $0x0  }
0x12: {  	s1 =	sld [smem:$0x3F9E];
	s0 =	simm.s32 @p0 $0x1  }
0x13: {  	[smem:$0x3FB9] =	sst s0;
	s0 =	simm.s32 @!p1 $0x0  }
0x14: {  	s2 =	sld [smem:$0x3F9D];
	s0 =	simm.s32 @p1 $0x1  }
0x15: {  	[smem:$0x3FBA] =	sst s0;
	s0 =	simm.s32 @!p2 $0x0  }
0x16: {  	s3 =	sld [smem:$0x3FDB];
	s0 =	simm.s32 @p2 $0x1  }
0x17: {  	s4 =	simm.s32 $0x1BF5;
	[smem:$0x3FBC] =	sst s0  }
0x18: {  	s0 =	sld [smem:$0x3F9F];
	_ =	swait.ge [sflag:s4], $0x0  }
0x19: {  	s7 =	sld [smem:$0x3FA0]  }
0x1a: {  	s8 =	sadd.s32 $0xFFFFE003, lr  }
0x1b: {  	s9 =	sadd.s32 $0xFFFFFEF7, lr;
	s5 =	simm.s32 $0xFFFFFFFF;
	p2 =	slt.u32 s8, $0xFFFFF086  }
0x1c: {  	p1 =	slt.u32 s9, $0xF7A;
	s5 =	simm.s32 @!p2 $0x0  }
0x1d: {  	s5 =	simm.s32 @p1 $0x1;
	p0 =	seq.s32 s7, s2  }
0x1e: {  	s7 =	smul.u32 @!p0 $0xF7A, s2;
	p2 =	seq.s32 @!p0 s5, $0x0  }
0x1f: {  	s9 =	smul.u32 $0xF7A, s1;
	s8 =	simm.s32 @!p0 $0x1BF5;
	p2 =	por !p2, p0  }
0x20: {  	[sflag:s8] =	ssyncset.s32 @!p0 $0xFFFFF086;
	s6 =	sadd.s32 @!p0 s3, s7;
	s7 =	simm.s32 @!p0 $0x108  }
0x21: {  	s3 =	sadd.s32 s3, s9;
	s6 =	sadd.s32 @!p0 $0x88, s6;
	s7 =	simm.s32 @p2 $0x1082  }
0x22: {  	[simem:s7], [sflag:s8] =	dma.local @!p0 [hbm:s6], $0xF7A  }
0x23: {  	s9 =	sor.u32 $0xD0000000, s2;
	s6 =	simm.s32 $0x108;
	_ =	swait.ge @!p0 [sflag:s8], $0x0  }
0x24: {  	s3 =	sadd.s32 $0x88, s3;
	s6 =	simm.s32 @!p1 $0x1082;
	[sflag:s4] =	ssyncset.s32 $0xFFFFF086  }
0x25: {  	[simem:s6], [sflag:s4] =	dma.local [hbm:s3], $0xF7A  }
0x26: {  	[smem:$0x3FA0] =	sst s1;
	(tag) =	ssettag s2;
	_ =	strace s9  }
0x27: {  	s1 =	sld [smem:$0x3FB0]  }
0x28: {  	s2 =	sld [smem:$0x3FB1]  }
0x29: {  	s4 =	sld [smem:$0x3FB3]  }
0x2a: {  	p0 =	seq.s32 s5, $0x0;
	s5 =	sld [smem:$0x3FB4]  }
0x2b: {  	s6 =	sld [smem:$0x3FB5]  }
0x2c: {  	s7 =	sld [smem:$0x3FB6]  }
0x2d: {  	s3 =	simm.s32 $0x108;
	s8 =	sld [smem:$0x3FB7]  }
0x2e: {  	s3 =	simm.s32 @!p0 $0x1082;
	s9 =	sld [smem:$0x3FB8]  }
0x2f: {  	lr =	sadd.s32 s0, s3;
	s0 =	sld [smem:$0x3FAF]  }
0x30: {  	s3 =	sld [smem:$0x3FB2]  }
0x31: {  	[smem:$0x3FBB] =	sst s10  }
0x32: {  	s10 =	sld [smem:$0x3FB9];
	_ =	sdelay $0x3  }
0x33: {  	p0 =	seq.s32 s10, $0x1;
	s10 =	sld [smem:$0x3FBB];
	_ =	sdelay $0x3  }
0x34: {  	[smem:$0x3FBB] =	sst s10  }
0x35: {  	s10 =	sld [smem:$0x3FBA];
	_ =	sdelay $0x3  }
0x36: {  	p1 =	seq.s32 s10, $0x1;
	s10 =	sld [smem:$0x3FBB];
	_ =	sdelay $0x3  }
0x37: {  	[smem:$0x3FBB] =	sst s10  }
0x38: {  	s10 =	sld [smem:$0x3FBC]  }
0x39: {  	_ = 	snop;
	(pc) =	sbr.ind lr, $3  }
0x3a: {  	_ = 	snop  }
0x3b: {  	_ = 	snop  }
0x3c: {  	p2 =	seq.s32 s10, $0x1;
	s10 =	sld [smem:$0x3FBB]  }
0x3d: {  	_ =	shalt  }
0x3e: {  	_ =	shalt  }
0x3f: {  	_ =	shalt  }
0x40: {  	_ =	shalt  }
0x41: {  	_ =	shalt  }
0x42: {  	_ =	shalt  }
0x43: {  	_ =	shalt  }
0x44: {  	_ =	shalt  }
0x45: {  	_ =	shalt  }
0x46: {  	_ =	shalt  }
0x47: {  	_ =	shalt  }
0x48: {  	_ =	shalt  }
0x49: {  	_ =	shalt  }
0x4a: {  	_ =	shalt  }
0x4b: {  	_ =	shalt  }
0x4c: {  	_ =	shalt  }
0x4d: {  	_ =	shalt  }
0x4e: {  	_ =	shalt  }
0x4f: {  	_ =	shalt  }
0x50: {  	_ =	shalt  }
0x51: {  	_ =	shalt  }
0x52: {  	_ =	shalt  }
0x53: {  	_ =	shalt  }
0x54: {  	_ =	shalt  }
0x55: {  	_ =	shalt  }
0x56: {  	_ =	shalt  }
0x57: {  	_ =	shalt  }
0x58: {  	_ =	shalt  }
0x59: {  	_ =	shalt  }
0x5a: {  	_ =	shalt  }
0x5b: {  	_ =	shalt  }
0x5c: {  	_ =	shalt  }
0x5d: {  	_ =	shalt  }
0x5e: {  	_ =	shalt  }
0x5f: {  	_ =	shalt  }
0x60: {  	_ =	shalt  }
0x61: {  	_ =	shalt  }
0x62: {  	_ =	shalt  }
0x63: {  	_ =	shalt  }
0x64: {  	_ =	shalt  }
0x65: {  	_ =	shalt  }
0x66: {  	_ =	shalt  }
0x67: {  	_ =	shalt  }
0x68: {  	_ =	shalt  }
0x69: {  	_ =	shalt  }
0x6a: {  	_ =	shalt  }
0x6b: {  	_ =	shalt  }
0x6c: {  	_ =	shalt  }
0x6d: {  	_ =	shalt  }
0x6e: {  	_ =	shalt  }
0x6f: {  	_ =	shalt  }
0x70: {  	_ =	shalt  }
0x71: {  	_ =	shalt  }
0x72: {  	_ =	shalt  }
0x73: {  	_ =	shalt  }
0x74: {  	_ =	shalt  }
0x75: {  	_ =	shalt  }
0x76: {  	_ =	shalt  }
0x77: {  	_ =	shalt  }
0x78: {  	_ =	shalt  }
0x79: {  	_ =	shalt  }
0x7a: {  	_ =	shalt  }
0x7b: {  	_ =	shalt  }
0x7c: {  	_ =	shalt  }
0x7d: {  	_ =	shalt  }
0x7e: {  	_ =	shalt  }
0x7f: {  	_ =	shalt  }
0x80: {  	_ =	shalt  }
0x81: {  	_ =	shalt  }
0x82: {  	_ =	shalt  }
0x83: {  	_ =	shalt  }
0x84: {  	_ =	shalt  }
0x85: {  	_ =	shalt  }
0x86: {  	_ =	shalt  }
0x87: {  	_ =	shalt  }
.Lfunc_end0:
.L_simem_size_0:
called_computation_lowered:
.L_overlay_start_0:
0x88: {  	s2 =	sld [smem:$0x3FD9]  }
0x89: {  	s3 =	sld [smem:$0x3FFE];
	_ =	sdelay $0x1  }
0x8a: {  	s1 =	srdreg.scid  }
0x8b: {  	s0 =	sand.u32 $0x1, s1  }
0x8c: {  	s16 =	sshll.u32 s0, $0xA;
	s2 =	sadd.s32 s3, s2  }
0x8d: {  	s2 =	sadd.s32 s2, s16  }
0x8e: {  	[smem:$0x3FC7] =	sst s2  }
0x8f: {  	_ = 	snop  }
0x90: {  	(tm) =	ssettm $0x1  }
0x91: {  	s17 =	sld [smem:$0x3FFB];
	_ =	sdelay $0x3  }
0x92: {  	_ =	strace s17  }
0x93: {  	s2 =	sld [smem:$0x3FFC];
	_ =	sdelay $0x3  }
0x94: {  	_ =	strace s2  }
0x95: {  	s2 =	sld [smem:$0x3FFD];
	_ =	sdelay $0x3  }
0x96: {  	_ =	strace s2  }
0x97: {  	_ =	strace $0x8FFFFFFF  }
0x98: {  	s18 =	sld [smem:$0x3FDB];
	_ =	sdelay $0x1  }
0x99: {  	s19 =	simm.s32 $_scs_section_size  }
0x9a: {  	s4 =	simm.s32 $_size__tile_overlayer_lowered;
	s5 =	simm.s32 $_tile_overlayer_lowered  }
0x9b: {  	s22 =	simm.s32 $0x1BFF;
	s21 =	sshll.u32 s5, $0x1;
	s2 =	sadd.s32 s19, s18  }
0x9c: {  	s6 =	simm.s32 $0x0;
	s20 =	sshll.u32 s4, $0x1;
	s4 =	sadd.s32 s21, s2  }
0x9d: {  	[timem:s6], [sflag:s22] =	dma.local [hbm:s4], s20  }
0x9e: {  	_ =	swait.ge [sflag:s22], s20  }
0x9f: {  	s3 =	ssub.s32 $0x0, s20;
	[sflag:s22] =	ssyncset.done $0x0  }
0xa0: {  	[sflag:s22] =	ssyncadd.s32 s3;
	_ =	sdelay $0x1  }
0xa1: {  	s23 =	simm.s32 $0x1B8B  }
0xa2: {  	_ =	swait.ge [sflag:s23], $0x1  }
0xa3: {  	[sflag:s23] =	ssyncset.done $0x0  }
0xa4: {  	s25 =	simm.s32 $0x1B8E;
	s24 =	sld [smem:$0x3FFE];
	[sflag:s23] =	ssyncadd.s32 $0xFFFFFFFF  }
0xa5: {  	s26 =	simm.s32 $execute0_lowered;
	[smem:$0x3FD2] =	sst s25  }
0xa6: {  	s4 =	sshll.u32 s26, $0x1;
	_ =	strace $0x80000046;
	[dreg:$0x1] =	wrdreg $0xFFFFFFFF  }
0xa7: {  	s28 =	simm.s32 $_size_execute0_lowered;
	s2 =	sadd.s32 s2, s4;
	[dreg:$0x0] =	wrdreg $0x0  }
0xa8: {  	s4 =	sshll.u32 s28, $0x1;
	[dreg:$0x2] =	wrdreg s2  }
0xa9: {  	[dreg:$0x3] =	wrdreg s4  }
0xaa: {  	[dreg:$0x4] =	wrdreg $0xC0  }
0xab: {  	_ =	task [dreg:s6], $0x5FFFF  }
0xac: {  	[dreg:$0x1] =	wrdreg $0xFFFFFFFF  }
0xad: {  	[dreg:$0x0] =	wrdreg $0x60  }
0xae: {  	[dreg:$0x2] =	wrdreg s24  }
0xaf: {  	[dreg:$0x3] =	wrdreg $0x40800  }
0xb0: {  	[dreg:$0x4] =	wrdreg $0x9  }
0xb1: {  	_ =	task.clear_ibuf [dreg:s6], $0x5FFFF;
	_ =	strace $0x90000046  }
0xb2: {  	s29 =	simm.s32 $0x9;
	_ =	strace $0x80000048  }
0xb3: {  	_ =	swait.ge [sflag:s29], $0x1  }
0xb4: {  	[sflag:s29] =	ssyncadd.s32 $0xFFFFFFFF  }
0xb5: {  	_ =	strace $0x90000048  }
0xb6: {  	_ =	sfence  }
0xb7: {  	s30 =	sld [smem:$0x0];
	_ =	sdelay $0x2  }
0xb8: {  	s31 =	sshll.u32 s1, $0xD;
	s1 =	sshrl.u32 s1, $0x2  }
0xb9: {  	s3 =	sand.u32 $0x4000, s31;
	s1 =	sadd.s32 s1, s30  }
0xba: {  	s0 =	sor.u32 s3, s0;
	s1 =	sshll.u32 s1, $0x11  }
0xbb: {  	s0 =	sor.u32 s1, s0  }
0xbc: {  	s0 =	sadd.s32 $0x8F2B, s0  }
0xbd: {  	[sflag:s0] =	ssyncadd.remote.s32 $0x1  }
0xbe: {  	_ =	sfence.sel $0xFFFF  }
0xbf: {  	[dreg:$0x0] =	wrdreg $0xFFFFFFFF;
	(pc) =	sbr.abs _section_cstart, $3  }
0xc0: {  	[dreg:$0x1] =	wrdreg $0xFFFFFFFF  }
0xc1: {  	_ =	task.clear_ibuf [dreg:s6], $0x2FFFF;
	_ =	strace $0x9FFFFFFF  }
0xc2: {  	(tm) =	ssettm $0x7FFFFFFF  }
0xc3: {  	_ =	shalt  }
tec
execute0_lowered:
.L_overlay_start_1:
0x0: {  	(tag) =	ssettag $0x1  }
0x1: {  	s9 =	rddreg [dreg:$0x0]  }
0x2: {  	s1 =	srdreg.scid;
	s0 =	stileid.u32  }
0x3: {  	s2 =	rddreg [dreg:$0x1];
	s4 =	smul.u32 $0x2800, s0  }
0x4: {  	s3 =	simm.s32 $0x0;
	s16 =	simm.s32 $0x0;
	s6 =	smul.u32 $0x50000, s0  }
0x5: {  	s7 =	sand.u32 $0x1, s1;
	s1 =	rddreg [dreg:$0x2];
	s12 =	smul.u32 $0x9E0, s0  }
0x6: {  	[smem:$0x7FF] =	sst s3;
	s14 =	sshll.u32 s0, $0x6;
	s5 =	smul.u32 $0x28000, s7  }
0x7: {  	_ =	strace $0x80000047;
	s30 =	ssub.s32 $0x2, s7;
	s13 =	smul.u32 $0x4F0, s7  }
0x8: {  	s14 =	sor.u32 $0x1C01, s14;
	s6 =	sshrl.u32 s6, $0x2;
	s4 =	sadd.s32 s4, s5  }
0x9: {  	s31 =	sshrl.u32 s30, $0x1;
	s10 =	sadd.s32 s4, s9;
	s4 =	sadd.s32 s6, s2  }
0xa: {  	s12 =	sadd.s32 s12, s9;
	s11 =	ssub.s32 s30, s31;
	s5 =	sadd.s32 $0x4000, s4  }
0xb: {  	s6 =	sadd.s32 $0x8000, s4;
	s7 =	sadd.s32 $0xC000, s4;
	s8 =	sadd.s32 $0x10000, s4  }
0xc: {  	s9 =	sadd.s32 $0xA000, s10;
	s10 =	smax.u32 s11, $0x1;
	s11 =	sadd.s32 s13, s12  }
0xd: {  	v0 =	vimm.f32 $0.0e+00;
	v1 =	vimm.f32 $1.000000000e+00;
	s12 =	simm.s32 $0x80;
	s13 =	simm.s32 $0x1;
	s15 =	sshrl.u32 s4, $0x3  }
.LBB2_1:
0xe: {  	s17 =	simm.s32 $0x0;
	s18 =	simm.s32 $0x200  }
.LBB2_2:
0xf: {  	p0 =	sne.s32 s18, $0xFE00;
	[tilespmem:s17+$0xF0] =	vst v0  }
0x10: {  	[tilespmem:s17+$0x80] =	vst v0  }
0x11: {  	[tilespmem:s17+$0x90] =	vst v0  }
.Ltmp0:
0x12: {  	[tilespmem:s17+$0xA0] =	vst v0;
	(pc) =	sbr.rel @p0 .LBB2_2-.Ltmp0, $4  }
0x13: {  	[tilespmem:s17+$0xB0] =	vst v0  }
0x14: {  	[tilespmem:s17+$0xC0] =	vst v0  }
0x15: {  	[tilespmem:s17+$0xD0] =	vst v0  }
0x16: {  	[tilespmem:s17+$0xE0] =	vst v0;
	s17 =	sshra.s32 s18, $0x2;
	s18 =	sadd.s32 $0x200, s18  }
0x17: {  	[tilespmem:s17+$0xF0] =	vst v0  }
0x18: {  	[tilespmem:s17+$0x80] =	vst v0  }
0x19: {  	[tilespmem:s17+$0x90] =	vst v0  }
0x1a: {  	[tilespmem:s17+$0xA0] =	vst v0  }
0x1b: {  	[tilespmem:s17+$0xB0] =	vst v0  }
0x1c: {  	[tilespmem:s17+$0xC0] =	vst v0  }
0x1d: {  	[tilespmem:s17+$0xD0] =	vst v0  }
0x1e: {  	[tilespmem:s17+$0xE0] =	vst v0  }
0x1f: {  	[spmem:s4] =	stream.linear.scatter [tilespmem:s12], [sflag:$0x1], $0x4000, $0x38;
	[tilespmem:$0x18080] =	vst v63  }
0x20: {  	_ =	swait.ge [sflag:s13], $0x4000  }
0x21: {  	[sflag:s13] =	ssyncset.done $0x0  }
0x22: {  	[sflag:s13] =	ssyncadd.s32 $0xFFFFC000  }
0x23: {  	[spmem:s5] =	stream.linear.scatter [tilespmem:s12], [sflag:$0x1], $0x4000, $0x38;
	[tilespmem:$0x18080] =	vst v63  }
0x24: {  	_ =	swait.ge [sflag:s13], $0x4000  }
0x25: {  	[sflag:s13] =	ssyncset.done $0x0  }
0x26: {  	[sflag:s13] =	ssyncadd.s32 $0xFFFFC000  }
0x27: {  	[spmem:s6] =	stream.linear.scatter [tilespmem:s12], [sflag:$0x1], $0x4000, $0x38;
	[tilespmem:$0x18080] =	vst v63  }
0x28: {  	_ =	swait.ge [sflag:s13], $0x4000  }
0x29: {  	[sflag:s13] =	ssyncset.done $0x0  }
0x2a: {  	[sflag:s13] =	ssyncadd.s32 $0xFFFFC000  }
0x2b: {  	[spmem:s7] =	stream.linear.scatter [tilespmem:s12], [sflag:$0x1], $0x4000, $0x38;
	[tilespmem:$0x18080] =	vst v63  }
0x2c: {  	_ =	swait.ge [sflag:s13], $0x4000  }
0x2d: {  	[sflag:s13] =	ssyncset.done $0x0  }
0x2e: {  	[sflag:s13] =	ssyncadd.s32 $0xFFFFC000  }
0x2f: {  	[spmem:s8] =	stream.linear.scatter [tilespmem:s12], [sflag:$0x1], $0x4000, $0x38;
	[tilespmem:$0x18080] =	vst v63  }
0x30: {  	_ =	swait.ge [sflag:s13], $0x4000  }
0x31: {  	[sflag:s13] =	ssyncset.done $0x0  }
0x32: {  	s17 =	simm.s32 $0x0;
	s18 =	simm.s32 $0x200;
	[sflag:s13] =	ssyncadd.s32 $0xFFFFC000  }
.LBB2_4:
0x33: {  	p0 =	sne.s32 s18, $0xFE00;
	[tilespmem:s17+$0xF0] =	vst v1  }
0x34: {  	[tilespmem:s17+$0x80] =	vst v1  }
0x35: {  	[tilespmem:s17+$0x90] =	vst v1  }
.Ltmp1:
0x36: {  	[tilespmem:s17+$0xA0] =	vst v1;
	(pc) =	sbr.rel @p0 .LBB2_4-.Ltmp1, $4  }
0x37: {  	[tilespmem:s17+$0xB0] =	vst v1  }
0x38: {  	[tilespmem:s17+$0xC0] =	vst v1  }
0x39: {  	[tilespmem:s17+$0xD0] =	vst v1  }
0x3a: {  	[tilespmem:s17+$0xE0] =	vst v1;
	s17 =	sshra.s32 s18, $0x2;
	s18 =	sadd.s32 $0x200, s18  }
0x3b: {  	[tilespmem:s17+$0xF0] =	vst v1  }
0x3c: {  	[tilespmem:s17+$0x80] =	vst v1  }
0x3d: {  	[tilespmem:s17+$0x90] =	vst v1  }
0x3e: {  	[tilespmem:s17+$0xA0] =	vst v1  }
0x3f: {  	[tilespmem:s17+$0xB0] =	vst v1  }
0x40: {  	[tilespmem:s17+$0xC0] =	vst v1  }
0x41: {  	[tilespmem:s17+$0xD0] =	vst v1  }
0x42: {  	[tilespmem:s17+$0xE0] =	vst v1  }
0x43: {  	s31 =	sadd.s32 $0x0, s11;
	[bflag:$0x0] =	sbarrier.arrive $0xFFFF  }
0x44: {  	[tilespmem:s3], [sflag:$0x1] =	stream.linear.gather [hbm4b:s31+s3], $0x80, $0x38;
	[tilespmem:$0x18080] =	vst v63  }
0x45: {  	_ =	swait.ge [sflag:s13], $0x80  }
0x46: {  	[sflag:s13] =	ssyncset.done $0x0  }
0x47: {  	[sflag:s13] =	ssyncadd.s32 $0xFFFFFF80  }
0x48: {  	[spmem:s2] =	stream.indirect.scatter.add.f32 [tilespmem:s12], [sflag:$0x1], $0x80, s3, s12, $0xb8;
	[tilespmem:$0x18080] =	vst v63  }
0x49: {  	_ =	swait.ge [sflag:s13], $0x4000  }
0x4a: {  	s17 =	simm.s32 $0x10;
	s18 =	simm.s32 $0x20;
	[sflag:s13] =	ssyncset.done $0x0  }
.LBB2_6:
0x4b: {  	s19 =	sadd.s32 s17, s11  }
0x4c: {  	[sflag:s13] =	ssyncadd.s32 $0xFFFFC000;
	s17 =	smov.u32 s18;
	s20 =	sadd.s32 $0x10, s18  }
0x4d: {  	[tilespmem:s3], [sflag:$0x1] =	stream.linear.gather [hbm4b:s19+s3], $0x80, $0x38;
	[tilespmem:$0x18080] =	vst v63  }
0x4e: {  	p0 =	sne.s32 s18, $0x4E0;
	_ =	swait.ge [sflag:s13], $0x80  }
.Ltmp2:
0x4f: {  	[sflag:s13] =	ssyncset.done $0x0;
	(pc) =	sbr.rel @p0 .LBB2_6-.Ltmp2, $4  }
0x50: {  	[sflag:s13] =	ssyncadd.s32 $0xFFFFFF80  }
0x51: {  	[spmem:s2] =	stream.indirect.scatter.add.f32 [tilespmem:s12], [sflag:$0x1], $0x80, s3, s12, $0xb8;
	[tilespmem:$0x18080] =	vst v63  }
0x52: {  	_ =	swait.ge [sflag:s13], $0x4000  }
0x53: {  	s18 =	smov.u32 s20;
	[sflag:s13] =	ssyncset.done $0x0  }
0x54: {  	s17 =	sadd.s32 s17, s11;
	[sflag:s13] =	ssyncadd.s32 $0xFFFFC000  }
0x55: {  	[tilespmem:s3], [sflag:$0x1] =	stream.linear.gather [hbm4b:s17+s3], $0x80, $0x38;
	[tilespmem:$0x18080] =	vst v63  }
0x56: {  	_ =	swait.ge [sflag:s13], $0x80  }
0x57: {  	[sflag:s13] =	ssyncset.done $0x0  }
0x58: {  	[sflag:s13] =	ssyncadd.s32 $0xFFFFFF80  }
0x59: {  	[spmem:s2] =	stream.indirect.scatter.add.f32 [tilespmem:s12], [sflag:$0x1], $0x80, s3, s12, $0xb8;
	[tilespmem:$0x18080] =	vst v63  }
0x5a: {  	_ =	swait.ge [sflag:s13], $0x4000  }
0x5b: {  	s16 =	sadd.s32 $0x1, s16;
	[sflag:s13] =	ssyncset.done $0x0  }
0x5c: {  	p0 =	sne.s32 s16, s10;
	[sflag:s13] =	ssyncadd.s32 $0xFFFFC000  }
.Ltmp3:
0x5d: {  	[bflag:$0x0] =	sbarrier.arrive $0xFFFF;
	(pc) =	sbr.rel @p0 .LBB2_1-.Ltmp3, $4  }
0x5e: {  	[hbm:s9], [sflag:s14] =	dma.local [spmem:s15], $0x2800  }
0x5f: {  	_ =	swait.ge [sflag:s13], $0x2800  }
0x60: {  	[sflag:s13] =	ssyncset.done $0x0  }
0x61: {  	[sflag:s13] =	ssyncadd.s32 $0xFFFFD800  }
0x62: {  	_ =	sfence.sel $0x180000  }
0x63: {  	[bflag:$0x0] =	sbarrier.arrive $0xFFFF  }
0x64: {  	p0 =	sne.s32 s0, $0x0;
	_ =	strace $0x90000047  }
0x65: {  	s0 =	sadd.s32 @!p0 $0x100000, s1;
	[bflag:$0x2] =	sbarrier.arrive $0xFFFF  }
0x66: {  	[sflag:s0] =	ssyncadd.tile.s32 @!p0 $0x1;
	_ =	shalt  }
.Lfunc_end2:
_tile_overlayer_lowered:
.L_overlay_start_2:
0x67: {  	(tag) =	ssettag $0x2  }
0x68: {  	s0 =	rddreg [dreg:$0x0];
	s2 =	stileid.u32  }
0x69: {  	s1 =	rddreg [dreg:$0x1];
	p0 =	sne.s32 s2, $0x0  }
0x6a: {  	s3 =	rddreg [dreg:$0x2];
	[bflag:$0x3] =	sbarrier.arrive $0xFFFF;
	s2 =	simm.s32 @!p0 $0x1C01  }
0x6b: {  	[timem:s3], [sflag:s2] =	dma.local @!p0 [hbm:s0], s1  }
0x6c: {  	s0 =	simm.s32 @!p0 $0x1  }
0x6d: {  	_ =	swait.ge @!p0 [sflag:s0], s1  }
0x6e: {  	s1 =	ssub.s32 @!p0 $0x0, s1;
	[sflag:s0] =	ssyncset.done @!p0 $0x0  }
0x6f: {  	[sflag:s0] =	ssyncadd.s32 @!p0 s1  }
0x70: {  	[bflag:$0x3] =	sbarrier.arrive $0xFFFF  }
0x71: {  	_ =	shalt  }

</sc_bundles>
